<compile_context>
chip_gen: v7x
topology: tpu7x:2x2x1
jax: 0.10.2.dev20260603
libtpu: 0.0.44.dev20260713+nightly
codegen_flags: <defaults>
</compile_context>

<pallas_src>
import functools
import math

import jax
import jax.numpy as jnp
from jax import lax
from jax.experimental import pallas as pl
from jax.experimental.pallas import tpu as pltpu
from jax.experimental.pallas import tpu_sc as plsc

_V = 100000
_PADDING_IDX = 1
_SMOOTHING = 0.1
_CONF = 1.0 - _SMOOTHING
_EPS = _SMOOTHING / _V
_C1 = (_V - 1) * _EPS * math.log(_EPS) + _CONF * math.log(_CONF)

_N = 512
_VB = 2048
_NB = -(-_V // _VB)

_NC, _NS, _L = 2, 16, 16
_NW = _NC * _NS
_RPW = _N // _NW


def _stats_body(x_ref, logz_ref, sx_ref, m_sc, s_sc, sx_sc):
    j = pl.program_id(0)

    @pl.when(j == 0)
    def _init():
        m_sc[...] = jnp.full((_N, 1), -jnp.inf, jnp.float32)
        s_sc[...] = jnp.zeros((_N, 1), jnp.float32)
        sx_sc[...] = jnp.zeros((_N, 1), jnp.float32)

    x = x_ref[...]

    @pl.when(j < _NB - 1)
    def _full():
        m0 = m_sc[...]
        mn = jnp.maximum(m0, jnp.max(x, axis=1, keepdims=True))
        s_sc[...] = (s_sc[...] * jnp.exp(m0 - mn)
                     + jnp.sum(jnp.exp(x - mn), axis=1, keepdims=True))
        m_sc[...] = mn
        sx_sc[...] += jnp.sum(x, axis=1, keepdims=True)

    @pl.when(j == _NB - 1)
    def _tail():
        lane = jax.lax.broadcasted_iota(jnp.int32, (_N, _VB), 1)
        valid = lane < (_V - j * _VB)
        xm = jnp.where(valid, x, -jnp.inf)
        m0 = m_sc[...]
        mn = jnp.maximum(m0, jnp.max(xm, axis=1, keepdims=True))
        s = (s_sc[...] * jnp.exp(m0 - mn)
             + jnp.sum(jnp.exp(xm - mn), axis=1, keepdims=True))
        sx = sx_sc[...] + jnp.sum(jnp.where(valid, x, 0.0),
                                  axis=1, keepdims=True)
        logz_ref[...] = mn + jnp.log(s)
        sx_ref[...] = sx


_sc_mesh = plsc.VectorSubcoreMesh(core_axis_name="c", subcore_axis_name="s")


@functools.partial(
    pl.kernel,
    out_type=jax.ShapeDtypeStruct((_N, 128), jnp.float32),
    mesh=_sc_mesh,
    scratch_types=[
        pltpu.VMEM((_RPW,), jnp.int32),
        pltpu.VMEM((_RPW, 128), jnp.float32),
        pltpu.VMEM((_RPW,), jnp.int32),
        pltpu.SemaphoreType.DMA,
    ],
)
def _sc_gather(pred128_hbm, t_hbm, out_hbm, idx_v, rows_v, t_v, sem):
    wid = lax.axis_index("s") * _NC + lax.axis_index("c")
    base = wid * _RPW
    pltpu.sync_copy(t_hbm.at[pl.ds(base, _RPW)], t_v)
    flat = (lax.iota(jnp.int32, _L) + base) * _V + t_v[...]
    idx_v[...] = lax.shift_right_logical(flat, 7)
    pltpu.async_copy(pred128_hbm.at[idx_v], rows_v, sem).wait()
    pltpu.sync_copy(rows_v, out_hbm.at[pl.ds(base, _RPW)])


def _finalize_body(logz_ref, sx_ref, rows_ref, t_ref, dl_ref, out_ref):
    logz = logz_ref[...]
    rowid = jax.lax.broadcasted_iota(jnp.int32, (_N, 1), 0)
    tgt_lane = jnp.bitwise_and(rowid * _V + t_ref[...], 127)
    lane = jax.lax.broadcasted_iota(jnp.int32, (_N, 128), 1)
    xt = jnp.sum(jnp.where(lane == tgt_lane, rows_ref[...], 0.0),
                 axis=1, keepdims=True)
    denom = jnp.sum(dl_ref[...], axis=0, keepdims=True)
    row_kl = (jnp.float32(_C1)
              - jnp.float32(_EPS) * (sx_ref[...]
                                     - jnp.float32(_V) * logz)
              - jnp.float32(_CONF - _EPS) * (xt - logz))
    row_kl = jnp.where(t_ref[...] == _PADDING_IDX, 0.0, row_kl)
    out_ref[...] = jnp.sum(row_kl, axis=0, keepdims=True) / denom


def kernel(pred, targets, decode_lengths):
    x = pred.reshape(_N, _V)
    t1 = targets.reshape(_N).astype(jnp.int32)
    t2 = t1.reshape(_N, 1)
    dl = decode_lengths.reshape(-1, 1).astype(jnp.float32)

    logz, sx = pl.pallas_call(
        _stats_body,
        grid=(_NB,),
        in_specs=[
            pl.BlockSpec((_N, _VB), lambda j: (0, j)),
        ],
        out_specs=[
            pl.BlockSpec((_N, 1), lambda j: (0, 0)),
            pl.BlockSpec((_N, 1), lambda j: (0, 0)),
        ],
        out_shape=[
            jax.ShapeDtypeStruct((_N, 1), jnp.float32),
            jax.ShapeDtypeStruct((_N, 1), jnp.float32),
        ],
        scratch_shapes=[
            pltpu.VMEM((_N, 1), jnp.float32),
            pltpu.VMEM((_N, 1), jnp.float32),
            pltpu.VMEM((_N, 1), jnp.float32),
        ],
        compiler_params=pltpu.CompilerParams(
            dimension_semantics=("arbitrary",),
        ),
    )(x)

    rows = _sc_gather(pred.reshape(_N * _V // 128, 128), t1)

    out = pl.pallas_call(
        _finalize_body,
        out_shape=jax.ShapeDtypeStruct((1, 1), jnp.float32),
    )(logz, sx, rows, t2, dl)
    return out.reshape(())

# --- scband reference (transcript-rebuilt; emitter-appended) ---
"""Pipeline reference for scband-label-smoothing-8022998909281 (READ-ONLY COPY).

The authoritative reference and input builder live on the scoring server;
editing this copy changes nothing except your own understanding.
"""

import jax, jax.numpy as jnp
import numpy as np

VOCAB = 100000
PADDING_IDX = 1
SMOOTHING = 0.1
CONFIDENCE = 1.0 - SMOOTHING


def setup_inputs(seed: int = 0) -> dict:
    key = jax.random.key(seed)
    k1, k2, k3 = jax.random.split(key, 3)
    pred = jax.random.normal(k1, (64, 8, VOCAB), dtype=jnp.float32)
    targets = jax.random.randint(k2, (64, 8), 0, VOCAB, dtype=jnp.int64)
    decode_lengths = jax.random.randint(k3, (64,), 0, 8, dtype=jnp.int64)
    return {"pred": pred, "targets": targets, "decode_lengths": decode_lengths}


def reference(pred, targets, decode_lengths):
    V = pred.shape[-1]
    x = pred.reshape(-1, V)
    y = targets.reshape(-1)
    n = y.shape[0]
    # true_dist: filled with smoothing/V, confidence scattered at target, padding rows zeroed
    true_dist = jnp.full((n, V), SMOOTHING / V, dtype=x.dtype)
    true_dist = true_dist.at[jnp.arange(n), y].set(CONFIDENCE)
    pad_mask = (y == PADDING_IDX)
    true_dist = jnp.where(pad_mask[:, None], 0.0, true_dist)
    logp = jax.nn.log_softmax(x, axis=-1)
    # KLDivLoss(size_average=False): sum over all elems of t*(log t - logp), with t==0 contributing 0
    safe_t = jnp.where(true_dist > 0, true_dist, 1.0)
    kl = jnp.sum(jnp.where(true_dist > 0, true_dist * jnp.log(safe_t), 0.0) - true_dist * logp)
    denom = jnp.sum(decode_lengths).astype(x.dtype)
    return kl / denom

if __name__ == "__main__":
    import jax
    _d = setup_inputs()
    print(jax.jit(kernel)(*tuple(_d.values())))

</pallas_src>

<mosaic_0001>
#map = affine_map<(d0, d1) -> (0, 0)>
#map1 = affine_map<(d0, d1) -> (0)>
module attributes {stable_mosaic.version = 14 : i64} {
  func.func @_sc_gather(%arg0: i32, %arg1: i32, %arg2: memref<400000x128xf32, #tpu.memory_space<hbm>>, %arg3: memref<512xi32, #tpu.memory_space<hbm>>, %arg4: memref<512x128xf32, #tpu.memory_space<hbm>>, %arg5: memref<16xi32, #tpu.memory_space<vmem>>, %arg6: memref<16x128xf32, #tpu.memory_space<vmem>>, %arg7: memref<16xi32, #tpu.memory_space<vmem>>, %arg8: memref<!tpu.dma_semaphore, #tpu.memory_space<semaphore_mem>>) attributes {dimension_semantics = [#tpu.dimension_semantics<core_parallel>, #tpu.dimension_semantics<subcore_parallel>], iteration_bounds = array<i64: 2, 16>, scalar_prefetch = 0 : i64, scratch_operands = 4 : i64, tpu.core_type = #tpu.core_type<sc_vector_subcore>, window_params = [{transform_indices = #map}, {transform_indices = #map1}, {transform_indices = #map}]} {
    %mul3A = arith.constant 2 : i32
    %mul3A_0 = arith.muli %arg1, %mul3A : i32
    %add3A = arith.addi %mul3A_0, %arg0 : i32
    %mul3A_1 = arith.constant 16 : i32
    %mul3A_2 = arith.muli %add3A, %mul3A_1 : i32
    "tpu.region"() ({
      %run_scoped3A = tpu.sem_alloc : memref<!tpu.dma_semaphore, #tpu.memory_space<semaphore_mem>>
      %dma_start3A_20 = tpu.memref_slice %arg3[%mul3A_2] : memref<512xi32, #tpu.memory_space<hbm>> -> memref<16xi32, #tpu.memory_space<hbm>>
      %dma_start3A_21 = tpu.memref_slice %arg3[%mul3A_2] : memref<512xi32, #tpu.memory_space<hbm>> -> memref<16xi32, #tpu.memory_space<hbm>>
      tpu.enqueue_dma source(%dma_start3A_21 : memref<16xi32, #tpu.memory_space<hbm>>) target(%arg7 : memref<16xi32, #tpu.memory_space<vmem>>) target_semaphore(%run_scoped3A : memref<!tpu.dma_semaphore, #tpu.memory_space<semaphore_mem>>)
      %dma_wait3A_22 = tpu.memref_slice %arg3[%mul3A_2] : memref<512xi32, #tpu.memory_space<hbm>> -> memref<16xi32, #tpu.memory_space<hbm>>
      %dma_wait3A_23 = tpu.memref_slice %arg3[%mul3A_2] : memref<512xi32, #tpu.memory_space<hbm>> -> memref<16xi32, #tpu.memory_space<hbm>>
      tpu.wait_dma2 semaphore(%run_scoped3A : memref<!tpu.dma_semaphore, #tpu.memory_space<semaphore_mem>>) src(%dma_wait3A_23 : memref<16xi32, #tpu.memory_space<hbm>>) dst(%arg7 : memref<16xi32, #tpu.memory_space<vmem>>)
      tpu.yield
    }) : () -> ()
    %iota3A = tpu.iota {dimensions = array<i32: 0>} : vector<16xi32>
    %add3A_3 = vector.broadcast %mul3A_2 : i32 to vector<16xi32>
    %add3A_4 = arith.addi %iota3A, %add3A_3 : vector<16xi32>
    %mul3A_5 = arith.constant 100000 : i32
    %mul3A_6 = vector.broadcast %mul3A_5 : i32 to vector<16xi32>
    %mul3A_7 = arith.muli %add3A_4, %mul3A_6 : vector<16xi32>
    %get3A = arith.constant 0 : index
    %get3A_8 = tpu.vector_load %arg7[%get3A] {strides = array<i32>} : memref<16xi32, #tpu.memory_space<vmem>>, vector<16xi32>,
    %get3A_9 = vector.shape_cast %get3A_8 : vector<16xi32> to vector<16xi32>
    %add3A_10 = arith.addi %mul3A_7, %get3A_9 : vector<16xi32>
    %shift_right_logical3A = arith.constant 7 : i32
    %shift_right_logical3A_11 = vector.broadcast %shift_right_logical3A : i32 to vector<16xi32>
    %shift_right_logical3A_12 = arith.shrui %add3A_10, %shift_right_logical3A_11 : vector<16xi32>
    %swap3A = arith.constant 0 : index
    %swap3A_13 = tpu.vector_load %arg5[%swap3A] {strides = array<i32>} : memref<16xi32, #tpu.memory_space<vmem>>, vector<16xi32>,
    %swap3A_14 = vector.shape_cast %swap3A_13 : vector<16xi32> to vector<16xi32>
    %swap3A_15 = vector.shape_cast %shift_right_logical3A_12 : vector<16xi32> to vector<16xi32>
    tpu.vector_store %arg5[%swap3A], %swap3A_15 {strides = array<i32>} : memref<16xi32, #tpu.memory_space<vmem>>, vector<16xi32>,
    %dma_start3A = arith.constant 0 : i32
    %dma_start3A_16 = arith.constant 0 : i32
    %dma_start3A_17 = tpu.memref_slice %arg2[%dma_start3A, %dma_start3A_16] : memref<400000x128xf32, #tpu.memory_space<hbm>> -> memref<400000x128xf32, #tpu.memory_space<hbm>>
    tpu.enqueue_indirect_dma source(%dma_start3A_17 : memref<400000x128xf32, #tpu.memory_space<hbm>>) target(%arg6 : memref<16x128xf32, #tpu.memory_space<vmem>>) offsets(%arg5 : memref<16xi32, #tpu.memory_space<vmem>>) semaphore(%arg8 : memref<!tpu.dma_semaphore, #tpu.memory_space<semaphore_mem>>)
    %dma_wait3A = arith.constant 0 : i32
    %dma_wait3A_18 = arith.constant 0 : i32
    %dma_wait3A_19 = tpu.memref_slice %arg2[%dma_wait3A, %dma_wait3A_18] : memref<400000x128xf32, #tpu.memory_space<hbm>> -> memref<400000x128xf32, #tpu.memory_space<hbm>>
    tpu.wait_indirect_dma semaphore(%arg8 : memref<!tpu.dma_semaphore, #tpu.memory_space<semaphore_mem>>) src(%dma_wait3A_19 : memref<400000x128xf32, #tpu.memory_space<hbm>>) dst(%arg6 : memref<16x128xf32, #tpu.memory_space<vmem>>)
    "tpu.region"() ({
      %run_scoped3A = tpu.sem_alloc : memref<!tpu.dma_semaphore, #tpu.memory_space<semaphore_mem>>
      %dma_start3A_20 = arith.constant 0 : i32
      %dma_start3A_21 = tpu.memref_slice %arg4[%mul3A_2, %dma_start3A_20] : memref<512x128xf32, #tpu.memory_space<hbm>> -> memref<16x128xf32, #tpu.memory_space<hbm>>
      %dma_start3A_22 = arith.constant 0 : i32
      %dma_start3A_23 = tpu.memref_slice %arg4[%mul3A_2, %dma_start3A_22] : memref<512x128xf32, #tpu.memory_space<hbm>> -> memref<16x128xf32, #tpu.memory_space<hbm>>
      tpu.enqueue_dma source(%arg6 : memref<16x128xf32, #tpu.memory_space<vmem>>) target(%dma_start3A_23 : memref<16x128xf32, #tpu.memory_space<hbm>>) target_semaphore(%run_scoped3A : memref<!tpu.dma_semaphore, #tpu.memory_space<semaphore_mem>>)
      %dma_wait3A_24 = arith.constant 0 : i32
      %dma_wait3A_25 = tpu.memref_slice %arg4[%mul3A_2, %dma_wait3A_24] : memref<512x128xf32, #tpu.memory_space<hbm>> -> memref<16x128xf32, #tpu.memory_space<hbm>>
      %dma_wait3A_26 = arith.constant 0 : i32
      %dma_wait3A_27 = tpu.memref_slice %arg4[%mul3A_2, %dma_wait3A_26] : memref<512x128xf32, #tpu.memory_space<hbm>> -> memref<16x128xf32, #tpu.memory_space<hbm>>
      tpu.wait_dma2 semaphore(%run_scoped3A : memref<!tpu.dma_semaphore, #tpu.memory_space<semaphore_mem>>) src(%arg6 : memref<16x128xf32, #tpu.memory_space<vmem>>) dst(%dma_wait3A_27 : memref<16x128xf32, #tpu.memory_space<hbm>>)
      tpu.yield
    }) : () -> ()
    return
  }
}

module attributes {stable_mosaic.version = 14 : i64} {
  func.func @_stats_body(%arg0: i32, %arg1: memref<512x2048xf32, #tpu.memory_space<vmem>>, %arg2: memref<512x1xf32, #tpu.memory_space<vmem>>, %arg3: memref<512x1xf32, #tpu.memory_space<vmem>>, %arg4: memref<512x1xf32, #tpu.memory_space<vmem>>, %arg5: memref<512x1xf32, #tpu.memory_space<vmem>>, %arg6: memref<512x1xf32, #tpu.memory_space<vmem>>) attributes {dimension_semantics = [#tpu.dimension_semantics<arbitrary>], iteration_bounds = array<i64: 49>, scalar_prefetch = 0 : i64, scratch_operands = 3 : i64, tpu.core_type = #tpu.core_type<tc>, window_params = [{transform_indices = @transform_0, window_bounds = array<i64: 512, 2048>}, {pipeline_mode = #tpu.pipeline_mode<synchronous>, transform_indices = @transform_1, window_bounds = array<i64: 512, 1>}, {pipeline_mode = #tpu.pipeline_mode<synchronous>, transform_indices = @transform_2, window_bounds = array<i64: 512, 1>}]} {
    %eq3A = arith.constant 0 : i32
    %eq3A_0 = arith.cmpi eq, %arg0, %eq3A : i32
    %convert_element_type3A = arith.extui %eq3A_0 : i1 to i32
    %cond3A = arith.constant 0 : i32
    %cond3A_1 = arith.cmpi ne, %convert_element_type3A, %cond3A : i32
    scf.if %cond3A_1 {
      %broadcast_in_dim3A = arith.constant 0xFF800000 : f32
      %broadcast_in_dim3A_13 = vector.broadcast %broadcast_in_dim3A : f32 to vector<512x1xf32>
      %swap3A = arith.constant 0 : index
      %swap3A_14 = arith.constant 0 : index
      %swap3A_15 = vector.load %arg4[%swap3A, %swap3A_14] : memref<512x1xf32, #tpu.memory_space<vmem>>, vector<512x1xf32>
      tpu.vector_store %arg4[%swap3A, %swap3A_14], %broadcast_in_dim3A_13 {strides = array<i32>} : memref<512x1xf32, #tpu.memory_space<vmem>>, vector<512x1xf32>,
      %broadcast_in_dim3A_16 = arith.constant 0.000000e+00 : f32
      %broadcast_in_dim3A_17 = vector.broadcast %broadcast_in_dim3A_16 : f32 to vector<512x1xf32>
      %swap3A_18 = arith.constant 0 : index
      %swap3A_19 = arith.constant 0 : index
      %swap3A_20 = vector.load %arg5[%swap3A_18, %swap3A_19] : memref<512x1xf32, #tpu.memory_space<vmem>>, vector<512x1xf32>
      tpu.vector_store %arg5[%swap3A_18, %swap3A_19], %broadcast_in_dim3A_17 {strides = array<i32>} : memref<512x1xf32, #tpu.memory_space<vmem>>, vector<512x1xf32>,
      %broadcast_in_dim3A_21 = arith.constant 0.000000e+00 : f32
      %broadcast_in_dim3A_22 = vector.broadcast %broadcast_in_dim3A_21 : f32 to vector<512x1xf32>
      %swap3A_23 = arith.constant 0 : index
      %swap3A_24 = arith.constant 0 : index
      %swap3A_25 = vector.load %arg6[%swap3A_23, %swap3A_24] : memref<512x1xf32, #tpu.memory_space<vmem>>, vector<512x1xf32>
      tpu.vector_store %arg6[%swap3A_23, %swap3A_24], %broadcast_in_dim3A_22 {strides = array<i32>} : memref<512x1xf32, #tpu.memory_space<vmem>>, vector<512x1xf32>,
    } else {
    }
    %get3A = arith.constant 0 : index
    %get3A_2 = arith.constant 0 : index
    %get3A_3 = vector.load %arg1[%get3A, %get3A_2] : memref<512x2048xf32, #tpu.memory_space<vmem>>, vector<512x2048xf32>
    %lt3A = arith.constant 48 : i32
    %lt3A_4 = arith.cmpi slt, %arg0, %lt3A : i32
    %convert_element_type3A_5 = arith.extui %lt3A_4 : i1 to i32
    %cond3A_6 = arith.constant 0 : i32
    %cond3A_7 = arith.cmpi ne, %convert_element_type3A_5, %cond3A_6 : i32
    scf.if %cond3A_7 {
      %get3A_13 = arith.constant 0 : index
      %get3A_14 = arith.constant 0 : index
      %get3A_15 = vector.load %arg4[%get3A_13, %get3A_14] : memref<512x1xf32, #tpu.memory_space<vmem>>, vector<512x1xf32>
      %reduce_max3A = arith.constant dense<0xFF800000> : vector<512xf32>
      %reduce_max3A_16 = vector.multi_reduction <maximumf>, %get3A_3, %reduce_max3A [1] : vector<512x2048xf32> to vector<512xf32>
      %broadcast_in_dim3A = vector.shape_cast %reduce_max3A_16 : vector<512xf32> to vector<512x1xf32>
      %max3A = arith.maximumf %get3A_15, %broadcast_in_dim3A : vector<512x1xf32>
      %get3A_17 = arith.constant 0 : index
      %get3A_18 = arith.constant 0 : index
      %get3A_19 = vector.load %arg5[%get3A_17, %get3A_18] : memref<512x1xf32, #tpu.memory_space<vmem>>, vector<512x1xf32>
      %sub3A = arith.subf %get3A_15, %max3A : vector<512x1xf32>
      %exp3A = math.exp %sub3A : vector<512x1xf32>
      %mul3A = arith.mulf %get3A_19, %exp3A : vector<512x1xf32>
      %sub3A_20 = vector.broadcast %max3A : vector<512x1xf32> to vector<512x2048xf32>
      %sub3A_21 = arith.subf %get3A_3, %sub3A_20 : vector<512x2048xf32>
      %exp3A_22 = math.exp %sub3A_21 : vector<512x2048xf32>
      %reduce_sum3A = arith.constant dense<0.000000e+00> : vector<512xf32>
      %reduce_sum3A_23 = vector.multi_reduction <add>, %exp3A_22, %reduce_sum3A [1] : vector<512x2048xf32> to vector<512xf32>
      %broadcast_in_dim3A_24 = vector.shape_cast %reduce_sum3A_23 : vector<512xf32> to vector<512x1xf32>
      %add3A = arith.addf %mul3A, %broadcast_in_dim3A_24 : vector<512x1xf32>
      %swap3A = arith.constant 0 : index
      %swap3A_25 = arith.constant 0 : index
      %swap3A_26 = vector.load %arg5[%swap3A, %swap3A_25] : memref<512x1xf32, #tpu.memory_space<vmem>>, vector<512x1xf32>
      tpu.vector_store %arg5[%swap3A, %swap3A_25], %add3A {strides = array<i32>} : memref<512x1xf32, #tpu.memory_space<vmem>>, vector<512x1xf32>,
      %swap3A_27 = arith.constant 0 : index
      %swap3A_28 = arith.constant 0 : index
      %swap3A_29 = vector.load %arg4[%swap3A_27, %swap3A_28] : memref<512x1xf32, #tpu.memory_space<vmem>>, vector<512x1xf32>
      tpu.vector_store %arg4[%swap3A_27, %swap3A_28], %max3A {strides = array<i32>} : memref<512x1xf32, #tpu.memory_space<vmem>>, vector<512x1xf32>,
      %get3A_30 = arith.constant 0 : index
      %get3A_31 = arith.constant 0 : index
      %get3A_32 = vector.load %arg6[%get3A_30, %get3A_31] : memref<512x1xf32, #tpu.memory_space<vmem>>, vector<512x1xf32>
      %reduce_sum3A_33 = arith.constant dense<0.000000e+00> : vector<512xf32>
      %reduce_sum3A_34 = vector.multi_reduction <add>, %get3A_3, %reduce_sum3A_33 [1] : vector<512x2048xf32> to vector<512xf32>
      %broadcast_in_dim3A_35 = vector.shape_cast %reduce_sum3A_34 : vector<512xf32> to vector<512x1xf32>
      %add3A_36 = arith.addf %get3A_32, %broadcast_in_dim3A_35 : vector<512x1xf32>
      %swap3A_37 = arith.constant 0 : index
      %swap3A_38 = arith.constant 0 : index
      %swap3A_39 = vector.load %arg6[%swap3A_37, %swap3A_38] : memref<512x1xf32, #tpu.memory_space<vmem>>, vector<512x1xf32>
      tpu.vector_store %arg6[%swap3A_37, %swap3A_38], %add3A_36 {strides = array<i32>} : memref<512x1xf32, #tpu.memory_space<vmem>>, vector<512x1xf32>,
    } else {
    }
    %eq3A_8 = arith.constant 48 : i32
    %eq3A_9 = arith.cmpi eq, %arg0, %eq3A_8 : i32
    %convert_element_type3A_10 = arith.extui %eq3A_9 : i1 to i32
    %cond3A_11 = arith.constant 0 : i32
    %cond3A_12 = arith.cmpi ne, %convert_element_type3A_10, %cond3A_11 : i32
    scf.if %cond3A_12 {
      %iota3A = tpu.iota {dimensions = array<i32: 1>} : vector<512x2048xi32>
      %mul3A = arith.constant 2048 : i32
      %mul3A_13 = arith.muli %arg0, %mul3A : i32
      %sub3A = arith.constant 100000 : i32
      %sub3A_14 = arith.subi %sub3A, %mul3A_13 : i32
      %lt3A_15 = vector.broadcast %sub3A_14 : i32 to vector<512x2048xi32>
      %lt3A_16 = arith.cmpi slt, %iota3A, %lt3A_15 : vector<512x2048xi32>
      %jit3A = arith.constant 0xFF800000 : f32
      %broadcast_in_dim3A = vector.broadcast %jit3A : f32 to vector<512x2048xf32>
      %select_n3A = arith.select %lt3A_16, %get3A_3, %broadcast_in_dim3A : vector<512x2048xi1>, vector<512x2048xf32>
      %get3A_17 = arith.constant 0 : index
      %get3A_18 = arith.constant 0 : index
      %get3A_19 = vector.load %arg4[%get3A_17, %get3A_18] : memref<512x1xf32, #tpu.memory_space<vmem>>, vector<512x1xf32>
      %reduce_max3A = arith.constant dense<0xFF800000> : vector<512xf32>
      %reduce_max3A_20 = vector.multi_reduction <maximumf>, %select_n3A, %reduce_max3A [1] : vector<512x2048xf32> to vector<512xf32>
      %broadcast_in_dim3A_21 = vector.shape_cast %reduce_max3A_20 : vector<512xf32> to vector<512x1xf32>
      %max3A = arith.maximumf %get3A_19, %broadcast_in_dim3A_21 : vector<512x1xf32>
      %get3A_22 = arith.constant 0 : index
      %get3A_23 = arith.constant 0 : index
      %get3A_24 = vector.load %arg5[%get3A_22, %get3A_23] : memref<512x1xf32, #tpu.memory_space<vmem>>, vector<512x1xf32>
      %sub3A_25 = arith.subf %get3A_19, %max3A : vector<512x1xf32>
      %exp3A = math.exp %sub3A_25 : vector<512x1xf32>
      %mul3A_26 = arith.mulf %get3A_24, %exp3A : vector<512x1xf32>
      %sub3A_27 = vector.broadcast %max3A : vector<512x1xf32> to vector<512x2048xf32>
      %sub3A_28 = arith.subf %select_n3A, %sub3A_27 : vector<512x2048xf32>
      %exp3A_29 = math.exp %sub3A_28 : vector<512x2048xf32>
      %reduce_sum3A = arith.constant dense<0.000000e+00> : vector<512xf32>
      %reduce_sum3A_30 = vector.multi_reduction <add>, %exp3A_29, %reduce_sum3A [1] : vector<512x2048xf32> to vector<512xf32>
      %broadcast_in_dim3A_31 = vector.shape_cast %reduce_sum3A_30 : vector<512xf32> to vector<512x1xf32>
      %add3A = arith.addf %mul3A_26, %broadcast_in_dim3A_31 : vector<512x1xf32>
      %get3A_32 = arith.constant 0 : index
      %get3A_33 = arith.constant 0 : index
      %get3A_34 = vector.load %arg6[%get3A_32, %get3A_33] : memref<512x1xf32, #tpu.memory_space<vmem>>, vector<512x1xf32>
      %jit3A_35 = arith.constant 0.000000e+00 : f32
      %broadcast_in_dim3A_36 = vector.broadcast %jit3A_35 : f32 to vector<512x2048xf32>
      %select_n3A_37 = arith.select %lt3A_16, %get3A_3, %broadcast_in_dim3A_36 : vector<512x2048xi1>, vector<512x2048xf32>
      %reduce_sum3A_38 = arith.constant dense<0.000000e+00> : vector<512xf32>
      %reduce_sum3A_39 = vector.multi_reduction <add>, %select_n3A_37, %reduce_sum3A_38 [1] : vector<512x2048xf32> to vector<512xf32>
      %broadcast_in_dim3A_40 = vector.shape_cast %reduce_sum3A_39 : vector<512xf32> to vector<512x1xf32>
      %add3A_41 = arith.addf %get3A_34, %broadcast_in_dim3A_40 : vector<512x1xf32>
      %log3A = math.log %add3A : vector<512x1xf32>
      %add3A_42 = arith.addf %max3A, %log3A : vector<512x1xf32>
      %swap3A = arith.constant 0 : index
      %swap3A_43 = arith.constant 0 : index
      %swap3A_44 = vector.load %arg2[%swap3A, %swap3A_43] : memref<512x1xf32, #tpu.memory_space<vmem>>, vector<512x1xf32>
      tpu.vector_store %arg2[%swap3A, %swap3A_43], %add3A_42 {strides = array<i32>} : memref<512x1xf32, #tpu.memory_space<vmem>>, vector<512x1xf32>,
      %swap3A_45 = arith.constant 0 : index
      %swap3A_46 = arith.constant 0 : index
      %swap3A_47 = vector.load %arg3[%swap3A_45, %swap3A_46] : memref<512x1xf32, #tpu.memory_space<vmem>>, vector<512x1xf32>
      tpu.vector_store %arg3[%swap3A_45, %swap3A_46], %add3A_41 {strides = array<i32>} : memref<512x1xf32, #tpu.memory_space<vmem>>, vector<512x1xf32>,
    } else {
    }
    return
  }
  func.func @transform_0(%arg0: i32) -> (i32, i32) {
    %c0_i32 = arith.constant 0 : i32
    %c0_i32_0 = arith.constant 0 : i32
    return %c0_i32, %arg0 : i32, i32
  }
  func.func @transform_1(%arg0: i32) -> (i32, i32) {
    %c0_i32 = arith.constant 0 : i32
    %c0_i32_0 = arith.constant 0 : i32
    %c0_i32_1 = arith.constant 0 : i32
    return %c0_i32, %c0_i32_0 : i32, i32
  }
  func.func @transform_2(%arg0: i32) -> (i32, i32) {
    %c0_i32 = arith.constant 0 : i32
    %c0_i32_0 = arith.constant 0 : i32
    %c0_i32_1 = arith.constant 0 : i32
    return %c0_i32, %c0_i32_0 : i32, i32
  }
}

module attributes {stable_mosaic.version = 14 : i64} {
  func.func @_finalize_body(%arg0: memref<512x1xf32, #tpu.memory_space<vmem>>, %arg1: memref<512x1xf32, #tpu.memory_space<vmem>>, %arg2: memref<512x128xf32, #tpu.memory_space<vmem>>, %arg3: memref<512x1xi32, #tpu.memory_space<vmem>>, %arg4: memref<64x1xf32, #tpu.memory_space<vmem>>, %arg5: memref<1x1xf32, #tpu.memory_space<vmem>>) attributes {dimension_semantics = [], scalar_prefetch = 0 : i64, scratch_operands = 0 : i64, tpu.core_type = #tpu.core_type<tc>} {
    %get3A = arith.constant 0 : index
    %get3A_0 = arith.constant 0 : index
    %get3A_1 = vector.load %arg0[%get3A, %get3A_0] : memref<512x1xf32, #tpu.memory_space<vmem>>, vector<512x1xf32>
    %iota3A = tpu.iota {dimensions = array<i32: 0>} : vector<512x1xi32>
    %mul3A = arith.constant 100000 : i32
    %mul3A_2 = vector.broadcast %mul3A : i32 to vector<512x1xi32>
    %mul3A_3 = arith.muli %iota3A, %mul3A_2 : vector<512x1xi32>
    %get3A_4 = arith.constant 0 : index
    %get3A_5 = arith.constant 0 : index
    %get3A_6 = vector.load %arg3[%get3A_4, %get3A_5] : memref<512x1xi32, #tpu.memory_space<vmem>>, vector<512x1xi32>
    %add3A = arith.addi %mul3A_3, %get3A_6 : vector<512x1xi32>
    %and3A = arith.constant 127 : i32
    %and3A_7 = vector.broadcast %and3A : i32 to vector<512x1xi32>
    %and3A_8 = arith.andi %add3A, %and3A_7 : vector<512x1xi32>
    %iota3A_9 = tpu.iota {dimensions = array<i32: 1>} : vector<512x128xi32>
    %eq3A = vector.broadcast %and3A_8 : vector<512x1xi32> to vector<512x128xi32>
    %eq3A_10 = arith.cmpi eq, %iota3A_9, %eq3A : vector<512x128xi32>
    %get3A_11 = arith.constant 0 : index
    %get3A_12 = arith.constant 0 : index
    %get3A_13 = vector.load %arg2[%get3A_11, %get3A_12] : memref<512x128xf32, #tpu.memory_space<vmem>>, vector<512x128xf32>
    %jit3A = arith.constant 0.000000e+00 : f32
    %broadcast_in_dim3A = vector.broadcast %jit3A : f32 to vector<512x128xf32>
    %select_n3A = arith.select %eq3A_10, %get3A_13, %broadcast_in_dim3A : vector<512x128xi1>, vector<512x128xf32>
    %reduce_sum3A = arith.constant dense<0.000000e+00> : vector<512xf32>
    %reduce_sum3A_14 = vector.multi_reduction <add>, %select_n3A, %reduce_sum3A [1] : vector<512x128xf32> to vector<512xf32>
    %broadcast_in_dim3A_15 = vector.shape_cast %reduce_sum3A_14 : vector<512xf32> to vector<512x1xf32>
    %get3A_16 = arith.constant 0 : index
    %get3A_17 = arith.constant 0 : index
    %get3A_18 = vector.load %arg4[%get3A_16, %get3A_17] : memref<64x1xf32, #tpu.memory_space<vmem>>, vector<64x1xf32>
    %reduce_sum3A_19 = arith.constant dense<0.000000e+00> : vector<1xf32>
    %reduce_sum3A_20 = vector.multi_reduction <add>, %get3A_18, %reduce_sum3A_19 [0] : vector<64x1xf32> to vector<1xf32>
    %broadcast_in_dim3A_21 = vector.shape_cast %reduce_sum3A_20 : vector<1xf32> to vector<1x1xf32>
    %get3A_22 = arith.constant 0 : index
    %get3A_23 = arith.constant 0 : index
    %get3A_24 = vector.load %arg1[%get3A_22, %get3A_23] : memref<512x1xf32, #tpu.memory_space<vmem>>, vector<512x1xf32>
    %mul3A_25 = arith.constant 1.000000e+05 : f32
    %mul3A_26 = vector.broadcast %mul3A_25 : f32 to vector<512x1xf32>
    %mul3A_27 = arith.mulf %mul3A_26, %get3A_1 : vector<512x1xf32>
    %sub3A = arith.subf %get3A_24, %mul3A_27 : vector<512x1xf32>
    %mul3A_28 = arith.constant 9.99999997E-7 : f32
    %mul3A_29 = vector.broadcast %mul3A_28 : f32 to vector<512x1xf32>
    %mul3A_30 = arith.mulf %mul3A_29, %sub3A : vector<512x1xf32>
    %sub3A_31 = arith.constant -1.47636175 : f32
    %sub3A_32 = vector.broadcast %sub3A_31 : f32 to vector<512x1xf32>
    %sub3A_33 = arith.subf %sub3A_32, %mul3A_30 : vector<512x1xf32>
    %sub3A_34 = arith.subf %broadcast_in_dim3A_15, %get3A_1 : vector<512x1xf32>
    %mul3A_35 = arith.constant 8.999990e-01 : f32
    %mul3A_36 = vector.broadcast %mul3A_35 : f32 to vector<512x1xf32>
    %mul3A_37 = arith.mulf %mul3A_36, %sub3A_34 : vector<512x1xf32>
    %sub3A_38 = arith.subf %sub3A_33, %mul3A_37 : vector<512x1xf32>
    %get3A_39 = arith.constant 0 : index
    %get3A_40 = arith.constant 0 : index
    %get3A_41 = vector.load %arg3[%get3A_39, %get3A_40] : memref<512x1xi32, #tpu.memory_space<vmem>>, vector<512x1xi32>
    %eq3A_42 = arith.constant 1 : i32
    %eq3A_43 = vector.broadcast %eq3A_42 : i32 to vector<512x1xi32>
    %eq3A_44 = arith.cmpi eq, %get3A_41, %eq3A_43 : vector<512x1xi32>
    %jit3A_45 = arith.constant 0.000000e+00 : f32
    %broadcast_in_dim3A_46 = vector.broadcast %jit3A_45 : f32 to vector<512x1xf32>
    %select_n3A_47 = arith.select %eq3A_44, %broadcast_in_dim3A_46, %sub3A_38 : vector<512x1xi1>, vector<512x1xf32>
    %reduce_sum3A_48 = arith.constant dense<0.000000e+00> : vector<1xf32>
    %reduce_sum3A_49 = vector.multi_reduction <add>, %select_n3A_47, %reduce_sum3A_48 [0] : vector<512x1xf32> to vector<1xf32>
    %broadcast_in_dim3A_50 = vector.shape_cast %reduce_sum3A_49 : vector<1xf32> to vector<1x1xf32>
    %div3A = arith.divf %broadcast_in_dim3A_50, %broadcast_in_dim3A_21 : vector<1x1xf32>
    %swap3A = arith.constant 0 : index
    %swap3A_51 = arith.constant 0 : index
    %swap3A_52 = vector.load %arg5[%swap3A, %swap3A_51] : memref<1x1xf32, #tpu.memory_space<vmem>>, vector<1x1xf32>
    tpu.vector_store %arg5[%swap3A, %swap3A_51], %div3A {strides = array<i32>} : memref<1x1xf32, #tpu.memory_space<vmem>>, vector<1x1xf32>,
    return
  }
}

</mosaic_0001>

<sc_bundles>
// kernel: kernel.5.cloned.1.call-start
scs
__scs_entry_jumppad:
0x0: {  	(pc) =	sbr.rel $0x88, $3  }
0x1: {  	(tag) =	ssettag $0x0;
	lr =	simm.s32 $0x1  }
0x2: {  	[smem:$0x3F9E] =	sst lr;
	_ =	strace $0xD0000000  }
0x3: {  	_ = 	snop  }
0x4: {  	_ = 	snop  }
0x5: {  	_ = 	snop  }
0x6: {  	_ = 	snop  }
0x7: {  	_ = 	snop  }
__scs_overlays_trampoline_lowered:
0x8: {  	[smem:$0x3FAD] =	sst s0  }
0x9: {  	[smem:$0x3FAE] =	sst s1  }
0xa: {  	[smem:$0x3FAF] =	sst s2  }
0xb: {  	[smem:$0x3FB0] =	sst s3  }
0xc: {  	[smem:$0x3FB1] =	sst s4  }
0xd: {  	[smem:$0x3FB2] =	sst s5  }
0xe: {  	[smem:$0x3FB3] =	sst s6  }
0xf: {  	[smem:$0x3FB4] =	sst s7  }
0x10: {  	[smem:$0x3FB5] =	sst s8  }
0x11: {  	[smem:$0x3FB6] =	sst s9;
	s0 =	simm.s32 @!p0 $0x0  }
0x12: {  	s1 =	sld [smem:$0x3F9C];
	s0 =	simm.s32 @p0 $0x1  }
0x13: {  	[smem:$0x3FB7] =	sst s0;
	s0 =	simm.s32 @!p1 $0x0  }
0x14: {  	s2 =	sld [smem:$0x3F9B];
	s0 =	simm.s32 @p1 $0x1  }
0x15: {  	[smem:$0x3FB8] =	sst s0;
	s0 =	simm.s32 @!p2 $0x0  }
0x16: {  	s3 =	sld [smem:$0x3FDB];
	s0 =	simm.s32 @p2 $0x1  }
0x17: {  	s4 =	simm.s32 $0x1BF5;
	[smem:$0x3FBA] =	sst s0  }
0x18: {  	s0 =	sld [smem:$0x3F9D];
	_ =	swait.ge [sflag:s4], $0x0  }
0x19: {  	s7 =	sld [smem:$0x3F9E]  }
0x1a: {  	s8 =	sadd.s32 $0xFFFFE003, lr  }
0x1b: {  	s9 =	sadd.s32 $0xFFFFFEF7, lr;
	s5 =	simm.s32 $0xFFFFFFFF;
	p2 =	slt.u32 s8, $0xFFFFF086  }
0x1c: {  	p1 =	slt.u32 s9, $0xF7A;
	s5 =	simm.s32 @!p2 $0x0  }
0x1d: {  	s5 =	simm.s32 @p1 $0x1;
	p0 =	seq.s32 s7, s2  }
0x1e: {  	s7 =	smul.u32 @!p0 $0xF7A, s2;
	p2 =	seq.s32 @!p0 s5, $0x0  }
0x1f: {  	s9 =	smul.u32 $0xF7A, s1;
	s8 =	simm.s32 @!p0 $0x1BF5;
	p2 =	por !p2, p0  }
0x20: {  	[sflag:s8] =	ssyncset.s32 @!p0 $0xFFFFF086;
	s6 =	sadd.s32 @!p0 s3, s7;
	s7 =	simm.s32 @!p0 $0x108  }
0x21: {  	s3 =	sadd.s32 s3, s9;
	s6 =	sadd.s32 @!p0 $0x88, s6;
	s7 =	simm.s32 @p2 $0x1082  }
0x22: {  	[simem:s7], [sflag:s8] =	dma.local @!p0 [hbm:s6], $0xF7A  }
0x23: {  	s9 =	sor.u32 $0xD0000000, s2;
	s6 =	simm.s32 $0x108;
	_ =	swait.ge @!p0 [sflag:s8], $0x0  }
0x24: {  	s3 =	sadd.s32 $0x88, s3;
	s6 =	simm.s32 @!p1 $0x1082;
	[sflag:s4] =	ssyncset.s32 $0xFFFFF086  }
0x25: {  	[simem:s6], [sflag:s4] =	dma.local [hbm:s3], $0xF7A  }
0x26: {  	[smem:$0x3F9E] =	sst s1;
	(tag) =	ssettag s2;
	_ =	strace s9  }
0x27: {  	s1 =	sld [smem:$0x3FAE]  }
0x28: {  	s2 =	sld [smem:$0x3FAF]  }
0x29: {  	s4 =	sld [smem:$0x3FB1]  }
0x2a: {  	p0 =	seq.s32 s5, $0x0;
	s5 =	sld [smem:$0x3FB2]  }
0x2b: {  	s6 =	sld [smem:$0x3FB3]  }
0x2c: {  	s7 =	sld [smem:$0x3FB4]  }
0x2d: {  	s3 =	simm.s32 $0x108;
	s8 =	sld [smem:$0x3FB5]  }
0x2e: {  	s3 =	simm.s32 @!p0 $0x1082;
	s9 =	sld [smem:$0x3FB6]  }
0x2f: {  	lr =	sadd.s32 s0, s3;
	s0 =	sld [smem:$0x3FAD]  }
0x30: {  	s3 =	sld [smem:$0x3FB0]  }
0x31: {  	[smem:$0x3FB9] =	sst s10  }
0x32: {  	s10 =	sld [smem:$0x3FB7];
	_ =	sdelay $0x3  }
0x33: {  	p0 =	seq.s32 s10, $0x1;
	s10 =	sld [smem:$0x3FB9];
	_ =	sdelay $0x3  }
0x34: {  	[smem:$0x3FB9] =	sst s10  }
0x35: {  	s10 =	sld [smem:$0x3FB8];
	_ =	sdelay $0x3  }
0x36: {  	p1 =	seq.s32 s10, $0x1;
	s10 =	sld [smem:$0x3FB9];
	_ =	sdelay $0x3  }
0x37: {  	[smem:$0x3FB9] =	sst s10  }
0x38: {  	s10 =	sld [smem:$0x3FBA]  }
0x39: {  	_ = 	snop;
	(pc) =	sbr.ind lr, $3  }
0x3a: {  	_ = 	snop  }
0x3b: {  	_ = 	snop  }
0x3c: {  	p2 =	seq.s32 s10, $0x1;
	s10 =	sld [smem:$0x3FB9]  }
0x3d: {  	_ =	shalt  }
0x3e: {  	_ =	shalt  }
0x3f: {  	_ =	shalt  }
0x40: {  	_ =	shalt  }
0x41: {  	_ =	shalt  }
0x42: {  	_ =	shalt  }
0x43: {  	_ =	shalt  }
0x44: {  	_ =	shalt  }
0x45: {  	_ =	shalt  }
0x46: {  	_ =	shalt  }
0x47: {  	_ =	shalt  }
0x48: {  	_ =	shalt  }
0x49: {  	_ =	shalt  }
0x4a: {  	_ =	shalt  }
0x4b: {  	_ =	shalt  }
0x4c: {  	_ =	shalt  }
0x4d: {  	_ =	shalt  }
0x4e: {  	_ =	shalt  }
0x4f: {  	_ =	shalt  }
0x50: {  	_ =	shalt  }
0x51: {  	_ =	shalt  }
0x52: {  	_ =	shalt  }
0x53: {  	_ =	shalt  }
0x54: {  	_ =	shalt  }
0x55: {  	_ =	shalt  }
0x56: {  	_ =	shalt  }
0x57: {  	_ =	shalt  }
0x58: {  	_ =	shalt  }
0x59: {  	_ =	shalt  }
0x5a: {  	_ =	shalt  }
0x5b: {  	_ =	shalt  }
0x5c: {  	_ =	shalt  }
0x5d: {  	_ =	shalt  }
0x5e: {  	_ =	shalt  }
0x5f: {  	_ =	shalt  }
0x60: {  	_ =	shalt  }
0x61: {  	_ =	shalt  }
0x62: {  	_ =	shalt  }
0x63: {  	_ =	shalt  }
0x64: {  	_ =	shalt  }
0x65: {  	_ =	shalt  }
0x66: {  	_ =	shalt  }
0x67: {  	_ =	shalt  }
0x68: {  	_ =	shalt  }
0x69: {  	_ =	shalt  }
0x6a: {  	_ =	shalt  }
0x6b: {  	_ =	shalt  }
0x6c: {  	_ =	shalt  }
0x6d: {  	_ =	shalt  }
0x6e: {  	_ =	shalt  }
0x6f: {  	_ =	shalt  }
0x70: {  	_ =	shalt  }
0x71: {  	_ =	shalt  }
0x72: {  	_ =	shalt  }
0x73: {  	_ =	shalt  }
0x74: {  	_ =	shalt  }
0x75: {  	_ =	shalt  }
0x76: {  	_ =	shalt  }
0x77: {  	_ =	shalt  }
0x78: {  	_ =	shalt  }
0x79: {  	_ =	shalt  }
0x7a: {  	_ =	shalt  }
0x7b: {  	_ =	shalt  }
0x7c: {  	_ =	shalt  }
0x7d: {  	_ =	shalt  }
0x7e: {  	_ =	shalt  }
0x7f: {  	_ =	shalt  }
0x80: {  	_ =	shalt  }
0x81: {  	_ =	shalt  }
0x82: {  	_ =	shalt  }
0x83: {  	_ =	shalt  }
0x84: {  	_ =	shalt  }
0x85: {  	_ =	shalt  }
0x86: {  	_ =	shalt  }
0x87: {  	_ =	shalt  }
.Lfunc_end0:
.L_simem_size_0:
called_computation_lowered:
.L_overlay_start_0:
0x88: {  	s2 =	sld [smem:$0x3FD9]  }
0x89: {  	s3 =	sld [smem:$0x3FFE];
	_ =	sdelay $0x1  }
0x8a: {  	s1 =	srdreg.scid  }
0x8b: {  	s0 =	sand.u32 $0x1, s1  }
0x8c: {  	s16 =	sshll.u32 s0, $0xA;
	s2 =	sadd.s32 s3, s2  }
0x8d: {  	s2 =	sadd.s32 s2, s16  }
0x8e: {  	[smem:$0x3FC5] =	sst s2  }
0x8f: {  	_ = 	snop  }
0x90: {  	(tm) =	ssettm $0x1  }
0x91: {  	s17 =	sld [smem:$0x3FFB];
	_ =	sdelay $0x3  }
0x92: {  	_ =	strace s17  }
0x93: {  	s2 =	sld [smem:$0x3FFC];
	_ =	sdelay $0x3  }
0x94: {  	_ =	strace s2  }
0x95: {  	s2 =	sld [smem:$0x3FFD];
	_ =	sdelay $0x3  }
0x96: {  	_ =	strace s2  }
0x97: {  	_ =	strace $0x8FFFFFFF  }
0x98: {  	s18 =	sld [smem:$0x3FDB];
	_ =	sdelay $0x1  }
0x99: {  	s19 =	simm.s32 $_scs_section_size  }
0x9a: {  	s4 =	simm.s32 $_size__tile_overlayer_lowered;
	s5 =	simm.s32 $_tile_overlayer_lowered  }
0x9b: {  	s22 =	simm.s32 $0x1BFF;
	s21 =	sshll.u32 s5, $0x1;
	s2 =	sadd.s32 s19, s18  }
0x9c: {  	s6 =	simm.s32 $0x0;
	s20 =	sshll.u32 s4, $0x1;
	s4 =	sadd.s32 s21, s2  }
0x9d: {  	[timem:s6], [sflag:s22] =	dma.local [hbm:s4], s20  }
0x9e: {  	_ =	swait.ge [sflag:s22], s20  }
0x9f: {  	s3 =	ssub.s32 $0x0, s20;
	[sflag:s22] =	ssyncset.done $0x0  }
0xa0: {  	[sflag:s22] =	ssyncadd.s32 s3;
	_ =	sdelay $0x1  }
0xa1: {  	s23 =	simm.s32 $0x1B8B  }
0xa2: {  	_ =	swait.ge [sflag:s23], $0x1  }
0xa3: {  	[sflag:s23] =	ssyncset.done $0x0  }
0xa4: {  	s25 =	simm.s32 $0x1B8E;
	s24 =	sld [smem:$0x3FFE];
	[sflag:s23] =	ssyncadd.s32 $0xFFFFFFFF  }
0xa5: {  	s26 =	simm.s32 $execute0_lowered;
	[smem:$0x3FD2] =	sst s25  }
0xa6: {  	s4 =	sshll.u32 s26, $0x1;
	_ =	strace $0x80000046;
	[dreg:$0x1] =	wrdreg $0xFFFFFFFF  }
0xa7: {  	s28 =	simm.s32 $_size_execute0_lowered;
	s2 =	sadd.s32 s2, s4;
	[dreg:$0x0] =	wrdreg $0x0  }
0xa8: {  	s4 =	sshll.u32 s28, $0x1;
	[dreg:$0x2] =	wrdreg s2  }
0xa9: {  	[dreg:$0x3] =	wrdreg s4  }
0xaa: {  	[dreg:$0x4] =	wrdreg $0xC0  }
0xab: {  	_ =	task [dreg:s6], $0x5FFFF  }
0xac: {  	[dreg:$0x1] =	wrdreg $0xFFFFFFFF  }
0xad: {  	[dreg:$0x0] =	wrdreg $0x60  }
0xae: {  	[dreg:$0x2] =	wrdreg s24  }
0xaf: {  	[dreg:$0x3] =	wrdreg $0x9  }
0xb0: {  	_ =	task.clear_ibuf [dreg:s6], $0x4FFFF;
	_ =	strace $0x90000046  }
0xb1: {  	s29 =	simm.s32 $0x9;
	_ =	strace $0x80000048  }
0xb2: {  	_ =	swait.ge [sflag:s29], $0x1  }
0xb3: {  	[sflag:s29] =	ssyncadd.s32 $0xFFFFFFFF  }
0xb4: {  	_ =	strace $0x90000048  }
0xb5: {  	_ =	sfence  }
0xb6: {  	s30 =	sld [smem:$0x0];
	_ =	sdelay $0x2  }
0xb7: {  	s31 =	sshll.u32 s1, $0xD;
	s1 =	sshrl.u32 s1, $0x2  }
0xb8: {  	s3 =	sand.u32 $0x4000, s31;
	s1 =	sadd.s32 s1, s30  }
0xb9: {  	s0 =	sor.u32 s3, s0;
	s1 =	sshll.u32 s1, $0x11  }
0xba: {  	s0 =	sor.u32 s1, s0  }
0xbb: {  	s0 =	sadd.s32 $0x8F2B, s0  }
0xbc: {  	[sflag:s0] =	ssyncadd.remote.s32 $0x1  }
0xbd: {  	_ =	sfence.sel $0xFFFF  }
0xbe: {  	[dreg:$0x0] =	wrdreg $0xFFFFFFFF;
	(pc) =	sbr.abs _section_cstart, $3  }
0xbf: {  	[dreg:$0x1] =	wrdreg $0xFFFFFFFF  }
0xc0: {  	_ =	task.clear_ibuf [dreg:s6], $0x2FFFF;
	_ =	strace $0x9FFFFFFF  }
0xc1: {  	(tm) =	ssettm $0x7FFFFFFF  }
tec
execute0_lowered:
.L_overlay_start_1:
0x0: {  	(tag) =	ssettag $0x1  }
0x1: {  	s1 =	srdreg.scid  }
0x2: {  	s0 =	stileid.u32;
	s7 =	sand.u32 $0x1, s1  }
0x3: {  	s3 =	sshll.u32 s0, $0x5;
	s4 =	sshll.u32 s7, $0x4  }
0x4: {  	s10 =	rddreg [dreg:$0x0];
	s11 =	sor.u32 s4, s3  }
0x5: {  	s2 =	simm.s32 $0x0;
	s1 =	rddreg [dreg:$0x1];
	s3 =	sshrl.u32 s11, $0x3  }
0x6: {  	s5 =	simm.s32 $0x880;
	[smem:$0x7FF] =	sst s2;
	s3 =	sadd.s32 s3, s10  }
0x7: {  	_ =	strace $0x80000047;
	s4 =	simm.s32 $0x2;
	s3 =	sadd.s32 $0x1000, s3  }
0x8: {  	[tilespmem:s5], [sflag:$0x2] =	stream.linear.gather [hbm4b:s3+s2], $0x10, $0x38;
	[tilespmem:$0x900] =	vst v63  }
0x9: {  	_ =	swait.ge [sflag:s4], $0x10  }
0xa: {  	[sflag:s4] =	ssyncset.done $0x0  }
0xb: {  	v0 =	vmov s11;
	[sflag:s4] =	ssyncadd.s32 $0xFFFFFFF0  }
0xc: {  	v0 =	vmul.u32 $0x186A0, v0;
	v1 =	vld [tilespmem:$0x880]  }
0xd: {  	v2 =	vlaneseq.u32  }
0xe: {  	v2 =	vmul.u32 $0x186A0, v2;
	v0 =	vbroadcast v0, $0x0;
	_ =	sdelay $0x1  }
0xf: {  	s12 =	ssub.s32 $0x2, s7;
	v0 =	vadd.s32 v2, v0  }
0x10: {  	s8 =	simm.s32 $0x80;
	s9 =	simm.s32 $0x1;
	s13 =	sshrl.u32 s12, $0x1;
	v1 =	vadd.s32 v1, v0  }
0x11: {  	s6 =	sadd.s32 $0x1200, s10;
	s11 =	sshll.u32 s11, $0x4;
	s31 =	ssub.s32 s12, s13;
	v1 =	vshrl.u32 v1, $0x7  }
0x12: {  	s7 =	simm.s32 $0x10;
	s10 =	sadd.s32 s11, s10;
	s11 =	smax.u32 s31, $0x1;
	[tilespmem:$0x0] =	vst v1  }
0x13: {  	[tilespmem:s8], [sflag:$0x1] =	stream.indirect.gather [hbm4b:s6+s7], $0x80, s2, s7, $0xb8;
	[tilespmem:$0x900] =	vst v63  }
0x14: {  	p0 =	sne.s32 s11, $0x1;
	_ =	swait.ge [sflag:s9], $0x800  }
.Ltmp0:
0x15: {  	[sflag:s9] =	ssyncset.done $0x0;
	(pc) =	sbr.rel @!p0 .LBB2_2-.Ltmp0, $4  }
0x16: {  	s10 =	sadd.s32 $0x61BA00, s10;
	[sflag:s9] =	ssyncadd.s32 $0xFFFFF800  }
0x17: {  	[hbm4b:s10+s2] =	stream.linear.scatter [tilespmem:s8], [sflag:$0x2], $0x800, $0x38;
	[tilespmem:$0x900] =	vst v63  }
0x18: {  	_ =	swait.ge [sflag:s4], $0x800  }
0x19: {  	s11 =	sadd.s32 $0xFFFFFFFF, s11;
	[sflag:s4] =	ssyncset.done $0x0  }
.LBB2_1:
0x1a: {  	p0 =	sne.s32 s11, $0x1;
	s11 =	sadd.s32 $0xFFFFFFFF, s11;
	[sflag:s4] =	ssyncadd.s32 $0xFFFFF800  }
0x1b: {  	[tilespmem:s5], [sflag:$0x2] =	stream.linear.gather [hbm4b:s3+s2], $0x10, $0x38;
	[tilespmem:$0x900] =	vst v63  }
0x1c: {  	_ =	swait.ge [sflag:s4], $0x10  }
0x1d: {  	[sflag:s4] =	ssyncset.done $0x0  }
0x1e: {  	[sflag:s4] =	ssyncadd.s32 $0xFFFFFFF0  }
0x1f: {  	v1 =	vld [tilespmem:$0x880];
	_ =	sdelay $0x4  }
0x20: {  	v1 =	vadd.s32 v1, v0  }
0x21: {  	v1 =	vshrl.u32 v1, $0x7  }
0x22: {  	[tilespmem:$0x0] =	vst v1  }
0x23: {  	[tilespmem:s8], [sflag:$0x1] =	stream.indirect.gather [hbm4b:s6+s7], $0x80, s2, s7, $0xb8;
	[tilespmem:$0x900] =	vst v63  }
0x24: {  	_ =	swait.ge [sflag:s9], $0x800  }
.Ltmp1:
0x25: {  	[sflag:s9] =	ssyncset.done $0x0;
	(pc) =	sbr.rel @p0 .LBB2_1-.Ltmp1, $4  }
0x26: {  	[sflag:s9] =	ssyncadd.s32 $0xFFFFF800  }
0x27: {  	[hbm4b:s10+s2] =	stream.linear.scatter [tilespmem:s8], [sflag:$0x2], $0x800, $0x38;
	[tilespmem:$0x900] =	vst v63  }
0x28: {  	_ =	swait.ge [sflag:s4], $0x800  }
0x29: {  	[sflag:s4] =	ssyncset.done $0x0  }
.LBB2_2:
0x2a: {  	[sflag:s4] =	ssyncadd.s32 $0xFFFFF800  }
0x2b: {  	_ =	sfence.sel $0x180000  }
0x2c: {  	[bflag:$0x0] =	sbarrier.arrive $0xFFFF  }
0x2d: {  	p0 =	sne.s32 s0, $0x0;
	_ =	strace $0x90000047  }
0x2e: {  	s0 =	sadd.s32 @!p0 $0x100000, s1;
	[bflag:$0x2] =	sbarrier.arrive $0xFFFF  }
0x2f: {  	[sflag:s0] =	ssyncadd.tile.s32 @!p0 $0x1;
	_ =	shalt  }
.Lfunc_end2:
_tile_overlayer_lowered:
.L_overlay_start_2:
0x30: {  	(tag) =	ssettag $0x2  }
0x31: {  	s0 =	rddreg [dreg:$0x0];
	s2 =	stileid.u32  }
0x32: {  	s1 =	rddreg [dreg:$0x1];
	p0 =	sne.s32 s2, $0x0  }
0x33: {  	s3 =	rddreg [dreg:$0x2];
	[bflag:$0x3] =	sbarrier.arrive $0xFFFF;
	s2 =	simm.s32 @!p0 $0x1C02  }
0x34: {  	[timem:s3], [sflag:s2] =	dma.local @!p0 [hbm:s0], s1  }
0x35: {  	s0 =	simm.s32 @!p0 $0x2  }
0x36: {  	_ =	swait.ge @!p0 [sflag:s0], s1  }
0x37: {  	s1 =	ssub.s32 @!p0 $0x0, s1;
	[sflag:s0] =	ssyncset.done @!p0 $0x0  }
0x38: {  	[sflag:s0] =	ssyncadd.s32 @!p0 s1  }
0x39: {  	[bflag:$0x3] =	sbarrier.arrive $0xFFFF  }
0x3a: {  	_ =	shalt  }

</sc_bundles>
